<compile_context>
chip_gen: v7x
topology: tpu7x:2x2x1
jax: 0.10.2.dev20260603
libtpu: 0.0.44.dev20260713+nightly
codegen_flags: <defaults>
</compile_context>

<pallas_src>
import functools

import jax
import jax.numpy as jnp
from jax import lax
from jax.experimental import pallas as pl
from jax.experimental.pallas import tpu as pltpu
from jax.experimental.pallas import tpu_sc as plsc

V = 4
D = 100
DP = 128

R, C0 = 16384, 200
B = R * C0

NC, NS = 2, 16
NW = NC * NS
B_PER_W = B // NW
CHUNK = 128
N_CHUNKS = B_PER_W // CHUNK


def _sc_gather_body(stable_hbm, x_hbm, out_hbm,
                    idx_a, idx_b, rows_a, rows_b, sem_a, sem_b):
    wid = lax.axis_index("s") * NC + lax.axis_index("c")
    base = wid * B_PER_W
    bufs = ((idx_a, rows_a, sem_a), (idx_b, rows_b, sem_b))

    def issue(j, idx, rows, sem):
        off = base + j * CHUNK
        pltpu.sync_copy(x_hbm.at[pl.ds(off, CHUNK)], idx)
        pltpu.async_copy(stable_hbm.at[idx], rows, sem)

    issue(0, *bufs[0])

    def step(j, carry):
        for p in (0, 1):
            @pl.when(j % 2 == p)
            def _():
                idx, rows, sem = bufs[p]
                pltpu.make_async_copy(stable_hbm.at[idx], rows, sem).wait()
                oidx, orows, osem = bufs[1 - p]

                @pl.when(j + 1 < N_CHUNKS)
                def _():
                    issue(j + 1, oidx, orows, osem)

                pltpu.sync_copy(rows, out_hbm.at[pl.ds(base + j * CHUNK, CHUNK)])
        return carry

    lax.fori_loop(0, N_CHUNKS, step, 0)


_sc_gather = functools.partial(
    pl.kernel,
    out_type=jax.ShapeDtypeStruct((B, DP), jnp.float32),
    mesh=plsc.VectorSubcoreMesh(core_axis_name="c", subcore_axis_name="s"),
    scratch_types=[
        pltpu.VMEM((CHUNK,), jnp.int32),
        pltpu.VMEM((CHUNK,), jnp.int32),
        pltpu.VMEM((CHUNK, DP), jnp.float32),
        pltpu.VMEM((CHUNK, DP), jnp.float32),
        pltpu.SemaphoreType.DMA,
        pltpu.SemaphoreType.DMA,
    ],
)(_sc_gather_body)


def kernel(x, table):
    xf = x.reshape(B).astype(jnp.int32)
    stable = jnp.zeros((V, DP), jnp.float32).at[:, :D].set(table.astype(jnp.float32))
    padded = _sc_gather(stable, xf)
    return padded[:, :D].reshape(R, C0, D)

# --- scband reference (transcript-rebuilt; emitter-appended) ---
"""Pipeline reference for scband-embedding-64665027608786 (READ-ONLY COPY).

The authoritative reference and input builder live on the scoring server;
editing this copy changes nothing except your own understanding.
"""

import jax, jax.numpy as jnp
import numpy as np

def setup_inputs(seed: int = 0) -> dict:
    key = jax.random.key(seed)
    k1, k2 = jax.random.split(key)
    x = jax.random.randint(k1, (16384, 200), 0, 4, dtype=jnp.int64) if jax.config.jax_enable_x64 else jax.random.randint(k1, (16384, 200), 0, 4, dtype=jnp.int32)
    table = jax.random.normal(k2, (4, 100), dtype=jnp.float32)
    return {"x": x, "table": table}

def reference(x, table):
    # nn.Embedding lookup: gather rows of the table by index
    return jnp.take(table, x, axis=0)

if __name__ == "__main__":
    import jax
    _d = setup_inputs()
    print(jax.jit(kernel)(*tuple(_d.values())))

</pallas_src>

<mosaic_0001>
#map = affine_map<(d0, d1) -> (0, 0)>
#map1 = affine_map<(d0, d1) -> (0)>
module attributes {stable_mosaic.version = 14 : i64} {
  func.func @_sc_gather_body(%arg0: i32, %arg1: i32, %arg2: memref<4x128xf32, #tpu.memory_space<hbm>>, %arg3: memref<3276800xi32, #tpu.memory_space<hbm>>, %arg4: memref<3276800x128xf32, #tpu.memory_space<hbm>>, %arg5: memref<128xi32, #tpu.memory_space<vmem>>, %arg6: memref<128xi32, #tpu.memory_space<vmem>>, %arg7: memref<128x128xf32, #tpu.memory_space<vmem>>, %arg8: memref<128x128xf32, #tpu.memory_space<vmem>>, %arg9: memref<!tpu.dma_semaphore, #tpu.memory_space<semaphore_mem>>, %arg10: memref<!tpu.dma_semaphore, #tpu.memory_space<semaphore_mem>>) attributes {dimension_semantics = [#tpu.dimension_semantics<core_parallel>, #tpu.dimension_semantics<subcore_parallel>], iteration_bounds = array<i64: 2, 16>, scalar_prefetch = 0 : i64, scratch_operands = 6 : i64, tpu.core_type = #tpu.core_type<sc_vector_subcore>, window_params = [{transform_indices = #map}, {transform_indices = #map1}, {transform_indices = #map}]} {
    %mul3A = arith.constant 2 : i32
    %mul3A_0 = arith.muli %arg1, %mul3A : i32
    %add3A = arith.addi %mul3A_0, %arg0 : i32
    %mul3A_1 = arith.constant 102400 : i32
    %mul3A_2 = arith.muli %add3A, %mul3A_1 : i32
    %add3A_3 = arith.constant 0 : i32
    %add3A_4 = arith.addi %mul3A_2, %add3A_3 : i32
    "tpu.region"() ({
      %run_scoped3A = tpu.sem_alloc : memref<!tpu.dma_semaphore, #tpu.memory_space<semaphore_mem>>
      %dma_start3A_12 = tpu.memref_slice %arg3[%add3A_4] : memref<3276800xi32, #tpu.memory_space<hbm>> -> memref<128xi32, #tpu.memory_space<hbm>>
      %dma_start3A_13 = tpu.memref_slice %arg3[%add3A_4] : memref<3276800xi32, #tpu.memory_space<hbm>> -> memref<128xi32, #tpu.memory_space<hbm>>
      tpu.enqueue_dma source(%dma_start3A_13 : memref<128xi32, #tpu.memory_space<hbm>>) target(%arg5 : memref<128xi32, #tpu.memory_space<vmem>>) target_semaphore(%run_scoped3A : memref<!tpu.dma_semaphore, #tpu.memory_space<semaphore_mem>>)
      %dma_wait3A = tpu.memref_slice %arg3[%add3A_4] : memref<3276800xi32, #tpu.memory_space<hbm>> -> memref<128xi32, #tpu.memory_space<hbm>>
      %dma_wait3A_14 = tpu.memref_slice %arg3[%add3A_4] : memref<3276800xi32, #tpu.memory_space<hbm>> -> memref<128xi32, #tpu.memory_space<hbm>>
      tpu.wait_dma2 semaphore(%run_scoped3A : memref<!tpu.dma_semaphore, #tpu.memory_space<semaphore_mem>>) src(%dma_wait3A_14 : memref<128xi32, #tpu.memory_space<hbm>>) dst(%arg5 : memref<128xi32, #tpu.memory_space<vmem>>)
      tpu.yield
    }) : () -> ()
    %dma_start3A = arith.constant 0 : i32
    %dma_start3A_5 = arith.constant 0 : i32
    %dma_start3A_6 = tpu.memref_slice %arg2[%dma_start3A, %dma_start3A_5] : memref<4x128xf32, #tpu.memory_space<hbm>> -> memref<4x128xf32, #tpu.memory_space<hbm>>
    tpu.enqueue_indirect_dma source(%dma_start3A_6 : memref<4x128xf32, #tpu.memory_space<hbm>>) target(%arg7 : memref<128x128xf32, #tpu.memory_space<vmem>>) offsets(%arg5 : memref<128xi32, #tpu.memory_space<vmem>>) semaphore(%arg9 : memref<!tpu.dma_semaphore, #tpu.memory_space<semaphore_mem>>)
    %scan3A = arith.constant 0 : i32
    %scan3A_7 = arith.constant 0 : i32
    %scan3A_8 = arith.constant 800 : i32
    %scan3A_9 = arith.addi %scan3A_7, %scan3A_8 : i32
    %scan3A_10 = arith.constant 1 : i32
    scf.for %scan3A_12 = %scan3A_7 to %scan3A_9 step %scan3A_10  : i32 {
      %jit3A = arith.constant 2 : i32
      %eq3A = arith.constant 0 : i32
      %eq3A_13 = arith.cmpi eq, %jit3A, %eq3A : i32
      %jit3A_14 = arith.constant 1 : i32
      %select_n3A = arith.select %eq3A_13, %jit3A_14, %jit3A : i32
      %rem3A = arith.remsi %scan3A_12, %select_n3A : i32
      %ne3A = arith.constant 0 : i32
      %ne3A_15 = arith.cmpi ne, %rem3A, %ne3A : i32
      %lt3A = arith.constant 0 : i32
      %lt3A_16 = arith.cmpi slt, %rem3A, %lt3A : i32
      %lt3A_17 = arith.constant 0 : i32
      %lt3A_18 = arith.cmpi slt, %select_n3A, %lt3A_17 : i32
      %ne3A_19 = arith.xori %lt3A_16, %lt3A_18 : i1
      %and3A = arith.andi %ne3A_19, %ne3A_15 : i1
      %add3A_20 = arith.addi %rem3A, %select_n3A : i32
      %select_n3A_21 = arith.select %and3A, %add3A_20, %rem3A : i32
      %eq3A_22 = arith.constant 0 : i32
      %eq3A_23 = arith.cmpi eq, %select_n3A_21, %eq3A_22 : i32
      %convert_element_type3A = arith.extui %eq3A_23 : i1 to i32
      %cond3A = arith.constant 0 : i32
      %cond3A_24 = arith.cmpi ne, %convert_element_type3A, %cond3A : i32
      scf.if %cond3A_24 {
        %dma_wait3A = arith.constant 0 : i32
        %dma_wait3A_46 = arith.constant 0 : i32
        %dma_wait3A_47 = tpu.memref_slice %arg2[%dma_wait3A, %dma_wait3A_46] : memref<4x128xf32, #tpu.memory_space<hbm>> -> memref<4x128xf32, #tpu.memory_space<hbm>>
        tpu.wait_indirect_dma semaphore(%arg9 : memref<!tpu.dma_semaphore, #tpu.memory_space<semaphore_mem>>) src(%dma_wait3A_47 : memref<4x128xf32, #tpu.memory_space<hbm>>) dst(%arg7 : memref<128x128xf32, #tpu.memory_space<vmem>>)
        %add3A_48 = arith.constant 1 : i32
        %add3A_49 = arith.addi %scan3A_12, %add3A_48 : i32
        %lt3A_50 = arith.constant 800 : i32
        %lt3A_51 = arith.cmpi slt, %add3A_49, %lt3A_50 : i32
        %convert_element_type3A_52 = arith.extui %lt3A_51 : i1 to i32
        %cond3A_53 = arith.constant 0 : i32
        %cond3A_54 = arith.cmpi ne, %convert_element_type3A_52, %cond3A_53 : i32
        scf.if %cond3A_54 {
          %add3A_58 = arith.constant 1 : i32
          %add3A_59 = arith.addi %scan3A_12, %add3A_58 : i32
          %mul3A_60 = arith.constant 128 : i32
          %mul3A_61 = arith.muli %add3A_59, %mul3A_60 : i32
          %add3A_62 = arith.addi %mul3A_2, %mul3A_61 : i32
          "tpu.region"() ({
            %run_scoped3A = tpu.sem_alloc : memref<!tpu.dma_semaphore, #tpu.memory_space<semaphore_mem>>
            %dma_start3A_66 = tpu.memref_slice %arg3[%add3A_62] : memref<3276800xi32, #tpu.memory_space<hbm>> -> memref<128xi32, #tpu.memory_space<hbm>>
            %dma_start3A_67 = tpu.memref_slice %arg3[%add3A_62] : memref<3276800xi32, #tpu.memory_space<hbm>> -> memref<128xi32, #tpu.memory_space<hbm>>
            tpu.enqueue_dma source(%dma_start3A_67 : memref<128xi32, #tpu.memory_space<hbm>>) target(%arg6 : memref<128xi32, #tpu.memory_space<vmem>>) target_semaphore(%run_scoped3A : memref<!tpu.dma_semaphore, #tpu.memory_space<semaphore_mem>>)
            %dma_wait3A_68 = tpu.memref_slice %arg3[%add3A_62] : memref<3276800xi32, #tpu.memory_space<hbm>> -> memref<128xi32, #tpu.memory_space<hbm>>
            %dma_wait3A_69 = tpu.memref_slice %arg3[%add3A_62] : memref<3276800xi32, #tpu.memory_space<hbm>> -> memref<128xi32, #tpu.memory_space<hbm>>
            tpu.wait_dma2 semaphore(%run_scoped3A : memref<!tpu.dma_semaphore, #tpu.memory_space<semaphore_mem>>) src(%dma_wait3A_69 : memref<128xi32, #tpu.memory_space<hbm>>) dst(%arg6 : memref<128xi32, #tpu.memory_space<vmem>>)
            tpu.yield
          }) : () -> ()
          %dma_start3A_63 = arith.constant 0 : i32
          %dma_start3A_64 = arith.constant 0 : i32
          %dma_start3A_65 = tpu.memref_slice %arg2[%dma_start3A_63, %dma_start3A_64] : memref<4x128xf32, #tpu.memory_space<hbm>> -> memref<4x128xf32, #tpu.memory_space<hbm>>
          tpu.enqueue_indirect_dma source(%dma_start3A_65 : memref<4x128xf32, #tpu.memory_space<hbm>>) target(%arg8 : memref<128x128xf32, #tpu.memory_space<vmem>>) offsets(%arg6 : memref<128xi32, #tpu.memory_space<vmem>>) semaphore(%arg10 : memref<!tpu.dma_semaphore, #tpu.memory_space<semaphore_mem>>)
        } else {
        }
        %mul3A_55 = arith.constant 128 : i32
        %mul3A_56 = arith.muli %scan3A_12, %mul3A_55 : i32
        %add3A_57 = arith.addi %mul3A_2, %mul3A_56 : i32
        "tpu.region"() ({
          %run_scoped3A = tpu.sem_alloc : memref<!tpu.dma_semaphore, #tpu.memory_space<semaphore_mem>>
          %dma_start3A_58 = arith.constant 0 : i32
          %dma_start3A_59 = tpu.memref_slice %arg4[%add3A_57, %dma_start3A_58] : memref<3276800x128xf32, #tpu.memory_space<hbm>> -> memref<128x128xf32, #tpu.memory_space<hbm>>
          %dma_start3A_60 = arith.constant 0 : i32
          %dma_start3A_61 = tpu.memref_slice %arg4[%add3A_57, %dma_start3A_60] : memref<3276800x128xf32, #tpu.memory_space<hbm>> -> memref<128x128xf32, #tpu.memory_space<hbm>>
          tpu.enqueue_dma source(%arg7 : memref<128x128xf32, #tpu.memory_space<vmem>>) target(%dma_start3A_61 : memref<128x128xf32, #tpu.memory_space<hbm>>) target_semaphore(%run_scoped3A : memref<!tpu.dma_semaphore, #tpu.memory_space<semaphore_mem>>)
          %dma_wait3A_62 = arith.constant 0 : i32
          %dma_wait3A_63 = tpu.memref_slice %arg4[%add3A_57, %dma_wait3A_62] : memref<3276800x128xf32, #tpu.memory_space<hbm>> -> memref<128x128xf32, #tpu.memory_space<hbm>>
          %dma_wait3A_64 = arith.constant 0 : i32
          %dma_wait3A_65 = tpu.memref_slice %arg4[%add3A_57, %dma_wait3A_64] : memref<3276800x128xf32, #tpu.memory_space<hbm>> -> memref<128x128xf32, #tpu.memory_space<hbm>>
          tpu.wait_dma2 semaphore(%run_scoped3A : memref<!tpu.dma_semaphore, #tpu.memory_space<semaphore_mem>>) src(%arg7 : memref<128x128xf32, #tpu.memory_space<vmem>>) dst(%dma_wait3A_65 : memref<128x128xf32, #tpu.memory_space<hbm>>)
          tpu.yield
        }) : () -> ()
      } else {
      }
      %jit3A_25 = arith.constant 2 : i32
      %eq3A_26 = arith.constant 0 : i32
      %eq3A_27 = arith.cmpi eq, %jit3A_25, %eq3A_26 : i32
      %jit3A_28 = arith.constant 1 : i32
      %select_n3A_29 = arith.select %eq3A_27, %jit3A_28, %jit3A_25 : i32
      %rem3A_30 = arith.remsi %scan3A_12, %select_n3A_29 : i32
      %ne3A_31 = arith.constant 0 : i32
      %ne3A_32 = arith.cmpi ne, %rem3A_30, %ne3A_31 : i32
      %lt3A_33 = arith.constant 0 : i32
      %lt3A_34 = arith.cmpi slt, %rem3A_30, %lt3A_33 : i32
      %lt3A_35 = arith.constant 0 : i32
      %lt3A_36 = arith.cmpi slt, %select_n3A_29, %lt3A_35 : i32
      %ne3A_37 = arith.xori %lt3A_34, %lt3A_36 : i1
      %and3A_38 = arith.andi %ne3A_37, %ne3A_32 : i1
      %add3A_39 = arith.addi %rem3A_30, %select_n3A_29 : i32
      %select_n3A_40 = arith.select %and3A_38, %add3A_39, %rem3A_30 : i32
      %eq3A_41 = arith.constant 1 : i32
      %eq3A_42 = arith.cmpi eq, %select_n3A_40, %eq3A_41 : i32
      %convert_element_type3A_43 = arith.extui %eq3A_42 : i1 to i32
      %cond3A_44 = arith.constant 0 : i32
      %cond3A_45 = arith.cmpi ne, %convert_element_type3A_43, %cond3A_44 : i32
      scf.if %cond3A_45 {
        %dma_wait3A = arith.constant 0 : i32
        %dma_wait3A_46 = arith.constant 0 : i32
        %dma_wait3A_47 = tpu.memref_slice %arg2[%dma_wait3A, %dma_wait3A_46] : memref<4x128xf32, #tpu.memory_space<hbm>> -> memref<4x128xf32, #tpu.memory_space<hbm>>
        tpu.wait_indirect_dma semaphore(%arg10 : memref<!tpu.dma_semaphore, #tpu.memory_space<semaphore_mem>>) src(%dma_wait3A_47 : memref<4x128xf32, #tpu.memory_space<hbm>>) dst(%arg8 : memref<128x128xf32, #tpu.memory_space<vmem>>)
        %add3A_48 = arith.constant 1 : i32
        %add3A_49 = arith.addi %scan3A_12, %add3A_48 : i32
        %lt3A_50 = arith.constant 800 : i32
        %lt3A_51 = arith.cmpi slt, %add3A_49, %lt3A_50 : i32
        %convert_element_type3A_52 = arith.extui %lt3A_51 : i1 to i32
        %cond3A_53 = arith.constant 0 : i32
        %cond3A_54 = arith.cmpi ne, %convert_element_type3A_52, %cond3A_53 : i32
        scf.if %cond3A_54 {
          %add3A_58 = arith.constant 1 : i32
          %add3A_59 = arith.addi %scan3A_12, %add3A_58 : i32
          %mul3A_60 = arith.constant 128 : i32
          %mul3A_61 = arith.muli %add3A_59, %mul3A_60 : i32
          %add3A_62 = arith.addi %mul3A_2, %mul3A_61 : i32
          "tpu.region"() ({
            %run_scoped3A = tpu.sem_alloc : memref<!tpu.dma_semaphore, #tpu.memory_space<semaphore_mem>>
            %dma_start3A_66 = tpu.memref_slice %arg3[%add3A_62] : memref<3276800xi32, #tpu.memory_space<hbm>> -> memref<128xi32, #tpu.memory_space<hbm>>
            %dma_start3A_67 = tpu.memref_slice %arg3[%add3A_62] : memref<3276800xi32, #tpu.memory_space<hbm>> -> memref<128xi32, #tpu.memory_space<hbm>>
            tpu.enqueue_dma source(%dma_start3A_67 : memref<128xi32, #tpu.memory_space<hbm>>) target(%arg5 : memref<128xi32, #tpu.memory_space<vmem>>) target_semaphore(%run_scoped3A : memref<!tpu.dma_semaphore, #tpu.memory_space<semaphore_mem>>)
            %dma_wait3A_68 = tpu.memref_slice %arg3[%add3A_62] : memref<3276800xi32, #tpu.memory_space<hbm>> -> memref<128xi32, #tpu.memory_space<hbm>>
            %dma_wait3A_69 = tpu.memref_slice %arg3[%add3A_62] : memref<3276800xi32, #tpu.memory_space<hbm>> -> memref<128xi32, #tpu.memory_space<hbm>>
            tpu.wait_dma2 semaphore(%run_scoped3A : memref<!tpu.dma_semaphore, #tpu.memory_space<semaphore_mem>>) src(%dma_wait3A_69 : memref<128xi32, #tpu.memory_space<hbm>>) dst(%arg5 : memref<128xi32, #tpu.memory_space<vmem>>)
            tpu.yield
          }) : () -> ()
          %dma_start3A_63 = arith.constant 0 : i32
          %dma_start3A_64 = arith.constant 0 : i32
          %dma_start3A_65 = tpu.memref_slice %arg2[%dma_start3A_63, %dma_start3A_64] : memref<4x128xf32, #tpu.memory_space<hbm>> -> memref<4x128xf32, #tpu.memory_space<hbm>>
          tpu.enqueue_indirect_dma source(%dma_start3A_65 : memref<4x128xf32, #tpu.memory_space<hbm>>) target(%arg7 : memref<128x128xf32, #tpu.memory_space<vmem>>) offsets(%arg5 : memref<128xi32, #tpu.memory_space<vmem>>) semaphore(%arg9 : memref<!tpu.dma_semaphore, #tpu.memory_space<semaphore_mem>>)
        } else {
        }
        %mul3A_55 = arith.constant 128 : i32
        %mul3A_56 = arith.muli %scan3A_12, %mul3A_55 : i32
        %add3A_57 = arith.addi %mul3A_2, %mul3A_56 : i32
        "tpu.region"() ({
          %run_scoped3A = tpu.sem_alloc : memref<!tpu.dma_semaphore, #tpu.memory_space<semaphore_mem>>
          %dma_start3A_58 = arith.constant 0 : i32
          %dma_start3A_59 = tpu.memref_slice %arg4[%add3A_57, %dma_start3A_58] : memref<3276800x128xf32, #tpu.memory_space<hbm>> -> memref<128x128xf32, #tpu.memory_space<hbm>>
          %dma_start3A_60 = arith.constant 0 : i32
          %dma_start3A_61 = tpu.memref_slice %arg4[%add3A_57, %dma_start3A_60] : memref<3276800x128xf32, #tpu.memory_space<hbm>> -> memref<128x128xf32, #tpu.memory_space<hbm>>
          tpu.enqueue_dma source(%arg8 : memref<128x128xf32, #tpu.memory_space<vmem>>) target(%dma_start3A_61 : memref<128x128xf32, #tpu.memory_space<hbm>>) target_semaphore(%run_scoped3A : memref<!tpu.dma_semaphore, #tpu.memory_space<semaphore_mem>>)
          %dma_wait3A_62 = arith.constant 0 : i32
          %dma_wait3A_63 = tpu.memref_slice %arg4[%add3A_57, %dma_wait3A_62] : memref<3276800x128xf32, #tpu.memory_space<hbm>> -> memref<128x128xf32, #tpu.memory_space<hbm>>
          %dma_wait3A_64 = arith.constant 0 : i32
          %dma_wait3A_65 = tpu.memref_slice %arg4[%add3A_57, %dma_wait3A_64] : memref<3276800x128xf32, #tpu.memory_space<hbm>> -> memref<128x128xf32, #tpu.memory_space<hbm>>
          tpu.wait_dma2 semaphore(%run_scoped3A : memref<!tpu.dma_semaphore, #tpu.memory_space<semaphore_mem>>) src(%arg8 : memref<128x128xf32, #tpu.memory_space<vmem>>) dst(%dma_wait3A_65 : memref<128x128xf32, #tpu.memory_space<hbm>>)
          tpu.yield
        }) : () -> ()
      } else {
      }
    }
    %scan3A_11 = arith.constant 800 : i32
    return
  }
}

</mosaic_0001>

<sc_bundles>
// kernel: kernel.3.cloned.1.call-start
scs
__scs_entry_jumppad:
0x0: {  	(pc) =	sbr.rel $0x88, $3  }
0x1: {  	(tag) =	ssettag $0x0;
	lr =	simm.s32 $0x1  }
0x2: {  	[smem:$0x3F9F] =	sst lr;
	_ =	strace $0xD0000000  }
0x3: {  	_ = 	snop  }
0x4: {  	_ = 	snop  }
0x5: {  	_ = 	snop  }
0x6: {  	_ = 	snop  }
0x7: {  	_ = 	snop  }
__scs_overlays_trampoline_lowered:
0x8: {  	[smem:$0x3FAE] =	sst s0  }
0x9: {  	[smem:$0x3FAF] =	sst s1  }
0xa: {  	[smem:$0x3FB0] =	sst s2  }
0xb: {  	[smem:$0x3FB1] =	sst s3  }
0xc: {  	[smem:$0x3FB2] =	sst s4  }
0xd: {  	[smem:$0x3FB3] =	sst s5  }
0xe: {  	[smem:$0x3FB4] =	sst s6  }
0xf: {  	[smem:$0x3FB5] =	sst s7  }
0x10: {  	[smem:$0x3FB6] =	sst s8  }
0x11: {  	[smem:$0x3FB7] =	sst s9;
	s0 =	simm.s32 @!p0 $0x0  }
0x12: {  	s1 =	sld [smem:$0x3F9D];
	s0 =	simm.s32 @p0 $0x1  }
0x13: {  	[smem:$0x3FB8] =	sst s0;
	s0 =	simm.s32 @!p1 $0x0  }
0x14: {  	s2 =	sld [smem:$0x3F9C];
	s0 =	simm.s32 @p1 $0x1  }
0x15: {  	[smem:$0x3FB9] =	sst s0;
	s0 =	simm.s32 @!p2 $0x0  }
0x16: {  	s3 =	sld [smem:$0x3FDB];
	s0 =	simm.s32 @p2 $0x1  }
0x17: {  	s4 =	simm.s32 $0x1BF5;
	[smem:$0x3FBB] =	sst s0  }
0x18: {  	s0 =	sld [smem:$0x3F9E];
	_ =	swait.ge [sflag:s4], $0x0  }
0x19: {  	s7 =	sld [smem:$0x3F9F]  }
0x1a: {  	s8 =	sadd.s32 $0xFFFFE003, lr  }
0x1b: {  	s9 =	sadd.s32 $0xFFFFFEF7, lr;
	s5 =	simm.s32 $0xFFFFFFFF;
	p2 =	slt.u32 s8, $0xFFFFF086  }
0x1c: {  	p1 =	slt.u32 s9, $0xF7A;
	s5 =	simm.s32 @!p2 $0x0  }
0x1d: {  	s5 =	simm.s32 @p1 $0x1;
	p0 =	seq.s32 s7, s2  }
0x1e: {  	s7 =	smul.u32 @!p0 $0xF7A, s2;
	p2 =	seq.s32 @!p0 s5, $0x0  }
0x1f: {  	s9 =	smul.u32 $0xF7A, s1;
	s8 =	simm.s32 @!p0 $0x1BF5;
	p2 =	por !p2, p0  }
0x20: {  	[sflag:s8] =	ssyncset.s32 @!p0 $0xFFFFF086;
	s6 =	sadd.s32 @!p0 s3, s7;
	s7 =	simm.s32 @!p0 $0x108  }
0x21: {  	s3 =	sadd.s32 s3, s9;
	s6 =	sadd.s32 @!p0 $0x88, s6;
	s7 =	simm.s32 @p2 $0x1082  }
0x22: {  	[simem:s7], [sflag:s8] =	dma.local @!p0 [hbm:s6], $0xF7A  }
0x23: {  	s9 =	sor.u32 $0xD0000000, s2;
	s6 =	simm.s32 $0x108;
	_ =	swait.ge @!p0 [sflag:s8], $0x0  }
0x24: {  	s3 =	sadd.s32 $0x88, s3;
	s6 =	simm.s32 @!p1 $0x1082;
	[sflag:s4] =	ssyncset.s32 $0xFFFFF086  }
0x25: {  	[simem:s6], [sflag:s4] =	dma.local [hbm:s3], $0xF7A  }
0x26: {  	[smem:$0x3F9F] =	sst s1;
	(tag) =	ssettag s2;
	_ =	strace s9  }
0x27: {  	s1 =	sld [smem:$0x3FAF]  }
0x28: {  	s2 =	sld [smem:$0x3FB0]  }
0x29: {  	s4 =	sld [smem:$0x3FB2]  }
0x2a: {  	p0 =	seq.s32 s5, $0x0;
	s5 =	sld [smem:$0x3FB3]  }
0x2b: {  	s6 =	sld [smem:$0x3FB4]  }
0x2c: {  	s7 =	sld [smem:$0x3FB5]  }
0x2d: {  	s3 =	simm.s32 $0x108;
	s8 =	sld [smem:$0x3FB6]  }
0x2e: {  	s3 =	simm.s32 @!p0 $0x1082;
	s9 =	sld [smem:$0x3FB7]  }
0x2f: {  	lr =	sadd.s32 s0, s3;
	s0 =	sld [smem:$0x3FAE]  }
0x30: {  	s3 =	sld [smem:$0x3FB1]  }
0x31: {  	[smem:$0x3FBA] =	sst s10  }
0x32: {  	s10 =	sld [smem:$0x3FB8];
	_ =	sdelay $0x3  }
0x33: {  	p0 =	seq.s32 s10, $0x1;
	s10 =	sld [smem:$0x3FBA];
	_ =	sdelay $0x3  }
0x34: {  	[smem:$0x3FBA] =	sst s10  }
0x35: {  	s10 =	sld [smem:$0x3FB9];
	_ =	sdelay $0x3  }
0x36: {  	p1 =	seq.s32 s10, $0x1;
	s10 =	sld [smem:$0x3FBA];
	_ =	sdelay $0x3  }
0x37: {  	[smem:$0x3FBA] =	sst s10  }
0x38: {  	s10 =	sld [smem:$0x3FBB]  }
0x39: {  	_ = 	snop;
	(pc) =	sbr.ind lr, $3  }
0x3a: {  	_ = 	snop  }
0x3b: {  	_ = 	snop  }
0x3c: {  	p2 =	seq.s32 s10, $0x1;
	s10 =	sld [smem:$0x3FBA]  }
0x3d: {  	_ =	shalt  }
0x3e: {  	_ =	shalt  }
0x3f: {  	_ =	shalt  }
0x40: {  	_ =	shalt  }
0x41: {  	_ =	shalt  }
0x42: {  	_ =	shalt  }
0x43: {  	_ =	shalt  }
0x44: {  	_ =	shalt  }
0x45: {  	_ =	shalt  }
0x46: {  	_ =	shalt  }
0x47: {  	_ =	shalt  }
0x48: {  	_ =	shalt  }
0x49: {  	_ =	shalt  }
0x4a: {  	_ =	shalt  }
0x4b: {  	_ =	shalt  }
0x4c: {  	_ =	shalt  }
0x4d: {  	_ =	shalt  }
0x4e: {  	_ =	shalt  }
0x4f: {  	_ =	shalt  }
0x50: {  	_ =	shalt  }
0x51: {  	_ =	shalt  }
0x52: {  	_ =	shalt  }
0x53: {  	_ =	shalt  }
0x54: {  	_ =	shalt  }
0x55: {  	_ =	shalt  }
0x56: {  	_ =	shalt  }
0x57: {  	_ =	shalt  }
0x58: {  	_ =	shalt  }
0x59: {  	_ =	shalt  }
0x5a: {  	_ =	shalt  }
0x5b: {  	_ =	shalt  }
0x5c: {  	_ =	shalt  }
0x5d: {  	_ =	shalt  }
0x5e: {  	_ =	shalt  }
0x5f: {  	_ =	shalt  }
0x60: {  	_ =	shalt  }
0x61: {  	_ =	shalt  }
0x62: {  	_ =	shalt  }
0x63: {  	_ =	shalt  }
0x64: {  	_ =	shalt  }
0x65: {  	_ =	shalt  }
0x66: {  	_ =	shalt  }
0x67: {  	_ =	shalt  }
0x68: {  	_ =	shalt  }
0x69: {  	_ =	shalt  }
0x6a: {  	_ =	shalt  }
0x6b: {  	_ =	shalt  }
0x6c: {  	_ =	shalt  }
0x6d: {  	_ =	shalt  }
0x6e: {  	_ =	shalt  }
0x6f: {  	_ =	shalt  }
0x70: {  	_ =	shalt  }
0x71: {  	_ =	shalt  }
0x72: {  	_ =	shalt  }
0x73: {  	_ =	shalt  }
0x74: {  	_ =	shalt  }
0x75: {  	_ =	shalt  }
0x76: {  	_ =	shalt  }
0x77: {  	_ =	shalt  }
0x78: {  	_ =	shalt  }
0x79: {  	_ =	shalt  }
0x7a: {  	_ =	shalt  }
0x7b: {  	_ =	shalt  }
0x7c: {  	_ =	shalt  }
0x7d: {  	_ =	shalt  }
0x7e: {  	_ =	shalt  }
0x7f: {  	_ =	shalt  }
0x80: {  	_ =	shalt  }
0x81: {  	_ =	shalt  }
0x82: {  	_ =	shalt  }
0x83: {  	_ =	shalt  }
0x84: {  	_ =	shalt  }
0x85: {  	_ =	shalt  }
0x86: {  	_ =	shalt  }
0x87: {  	_ =	shalt  }
.Lfunc_end0:
.L_simem_size_0:
called_computation.1_lowered:
.L_overlay_start_0:
0x88: {  	s2 =	sld [smem:$0x3FD9]  }
0x89: {  	s3 =	sld [smem:$0x3FFE];
	_ =	sdelay $0x1  }
0x8a: {  	s1 =	srdreg.scid  }
0x8b: {  	s0 =	sand.u32 $0x1, s1  }
0x8c: {  	s17 =	sshll.u32 s0, $0xA;
	s2 =	sadd.s32 s3, s2  }
0x8d: {  	s2 =	sadd.s32 s2, s17  }
0x8e: {  	[smem:$0x3FC6] =	sst s2  }
0x8f: {  	_ = 	snop  }
0x90: {  	s2 =	sld [smem:$0x3FD0];
	(tm) =	ssettm $0x1  }
0x91: {  	s18 =	sld [smem:$0x3FFB];
	_ =	sdelay $0x3  }
0x92: {  	_ =	strace s18  }
0x93: {  	s3 =	sld [smem:$0x3FFC];
	_ =	sdelay $0x3  }
0x94: {  	_ =	strace s3  }
0x95: {  	s3 =	sld [smem:$0x3FFD];
	_ =	sdelay $0x3  }
0x96: {  	_ =	strace s3  }
0x97: {  	_ =	strace $0x8FFFFFFF  }
0x98: {  	s19 =	sld [smem:$0x3FDB];
	_ =	sdelay $0x1  }
0x99: {  	s4 =	simm.s32 $_scs_section_size  }
0x9a: {  	s5 =	simm.s32 $_size__tile_overlayer_lowered;
	s6 =	simm.s32 $_tile_overlayer_lowered  }
0x9b: {  	s22 =	simm.s32 $0x1BFF;
	s21 =	sshll.u32 s6, $0x1;
	s3 =	sadd.s32 s4, s19  }
0x9c: {  	s7 =	simm.s32 $0x0;
	s20 =	sshll.u32 s5, $0x1;
	s5 =	sadd.s32 s21, s3  }
0x9d: {  	[timem:s7], [sflag:s22] =	dma.local [hbm:s5], s20  }
0x9e: {  	_ =	swait.ge [sflag:s22], s20  }
0x9f: {  	s4 =	ssub.s32 $0x0, s20;
	[sflag:s22] =	ssyncset.done $0x0  }
0xa0: {  	[sflag:s22] =	ssyncadd.s32 s4;
	_ =	sdelay $0x1  }
0xa1: {  	s23 =	simm.s32 $0x1B8B  }
0xa2: {  	_ =	swait.ge [sflag:s23], $0x1  }
0xa3: {  	[sflag:s23] =	ssyncset.done $0x0  }
0xa4: {  	s25 =	simm.s32 $0x1B8E;
	s24 =	sld [smem:$0x3FFE];
	[sflag:s23] =	ssyncadd.s32 $0xFFFFFFFF  }
0xa5: {  	s26 =	simm.s32 $execute0_lowered;
	[smem:$0x3FD2] =	sst s25  }
0xa6: {  	s5 =	sshll.u32 s26, $0x1;
	_ =	strace $0x80000046;
	[dreg:$0x1] =	wrdreg $0xFFFFFFFF  }
0xa7: {  	s28 =	simm.s32 $_size_execute0_lowered;
	s3 =	sadd.s32 s3, s5;
	[dreg:$0x0] =	wrdreg $0x0  }
0xa8: {  	s5 =	sshll.u32 s28, $0x1;
	[dreg:$0x2] =	wrdreg s3  }
0xa9: {  	[dreg:$0x3] =	wrdreg s5  }
0xaa: {  	[dreg:$0x4] =	wrdreg $0xC0  }
0xab: {  	_ =	task [dreg:s7], $0x5FFFF  }
0xac: {  	[dreg:$0x1] =	wrdreg $0xFFFFFFFF  }
0xad: {  	[dreg:$0x0] =	wrdreg $0x60  }
0xae: {  	[dreg:$0x2] =	wrdreg s24  }
0xaf: {  	[dreg:$0x3] =	wrdreg s2  }
0xb0: {  	[dreg:$0x4] =	wrdreg $0x9  }
0xb1: {  	_ =	task.clear_ibuf [dreg:s7], $0x5FFFF;
	_ =	strace $0x90000046  }
0xb2: {  	s29 =	simm.s32 $0x9;
	_ =	strace $0x80000048  }
0xb3: {  	_ =	swait.ge [sflag:s29], $0x1  }
0xb4: {  	[sflag:s29] =	ssyncadd.s32 $0xFFFFFFFF  }
0xb5: {  	_ =	strace $0x90000048  }
0xb6: {  	_ =	sfence  }
0xb7: {  	s30 =	sld [smem:$0x0];
	_ =	sdelay $0x2  }
0xb8: {  	s31 =	sshll.u32 s1, $0xD;
	s1 =	sshrl.u32 s1, $0x2  }
0xb9: {  	s3 =	sand.u32 $0x4000, s31;
	s1 =	sadd.s32 s1, s30  }
0xba: {  	s0 =	sor.u32 s3, s0;
	s1 =	sshll.u32 s1, $0x11  }
0xbb: {  	s0 =	sor.u32 s1, s0  }
0xbc: {  	s0 =	sadd.s32 $0x8F2B, s0  }
0xbd: {  	[sflag:s0] =	ssyncadd.remote.s32 $0x1  }
0xbe: {  	_ =	sfence.sel $0xFFFF  }
0xbf: {  	[dreg:$0x0] =	wrdreg $0xFFFFFFFF;
	(pc) =	sbr.abs _section_cstart, $3  }
0xc0: {  	[dreg:$0x1] =	wrdreg $0xFFFFFFFF  }
0xc1: {  	_ =	task.clear_ibuf [dreg:s7], $0x2FFFF;
	_ =	strace $0x9FFFFFFF  }
0xc2: {  	(tm) =	ssettm $0x7FFFFFFF  }
0xc3: {  	_ =	shalt  }
tec
execute0_lowered:
.L_overlay_start_1:
0x0: {  	(tag) =	ssettag $0x1  }
0x1: {  	s1 =	srdreg.scid;
	s4 =	rddreg [dreg:$0x0]  }
0x2: {  	s0 =	stileid.u32;
	s8 =	rddreg [dreg:$0x1];
	s2 =	simm.s32 $0x0  }
0x3: {  	s14 =	simm.s32 $0x0;
	s5 =	sand.u32 $0x1, s1;
	s9 =	smul.u32 $0x1900000, s0  }
0x4: {  	s24 =	sshll.u32 s0, $0x1;
	s1 =	rddreg [dreg:$0x2];
	s11 =	smul.u32 $0x32000, s0  }
0x5: {  	[smem:$0x7FF] =	sst s2;
	s12 =	sadd.s32 $0x800, s4;
	s13 =	smul.u32 $0x19000, s5  }
0x6: {  	s3 =	sor.u32 s5, s24;
	s10 =	ssub.s32 $0x2, s5;
	s28 =	smul.u32 $0xC80000, s5  }
0x7: {  	_ =	strace $0x80000047;
	s6 =	smul.u32 $0x19000, s3;
	s25 =	sshrl.u32 s10, $0x1  }
0x8: {  	s7 =	smul.u32 $0xC80000, s3;
	s3 =	sadd.s32 $0x600, s4;
	s10 =	ssub.s32 s10, s25  }
0x9: {  	s29 =	sadd.s32 s13, s11;
	s11 =	simm.s32 $0x100;
	s13 =	simm.s32 $0x4100  }
0xa: {  	s26 =	sshrl.u32 s6, $0x3;
	s5 =	smax.u32 s10, $0x1;
	s7 =	sshrl.u32 s7, $0x3  }
0xb: {  	s6 =	sadd.s32 s28, s9;
	s30 =	sor.u32 $0x80, s29;
	s10 =	simm.s32 $0x80  }
0xc: {  	s4 =	sadd.s32 s8, s26;
	s7 =	sadd.s32 s12, s7;
	s31 =	sshrl.u32 s6, $0x3  }
0xd: {  	s9 =	sshrl.u32 s30, $0x3;
	s6 =	sadd.s32 $0x18F800, s7;
	s7 =	sadd.s32 s31, s12  }
0xe: {  	s8 =	sadd.s32 s9, s8;
	s9 =	simm.s32 $0x3;
	s12 =	simm.s32 $0x2  }
.LBB2_1:
0xf: {  	[tilespmem:s2], [sflag:$0x3] =	stream.linear.gather [hbm4b:s4+s2], $0x80, $0x38;
	[tilespmem:$0x8100] =	vst v63  }
0x10: {  	s15 =	sand.u32 $0x1, s2;
	_ =	swait.ge [sflag:s9], $0x80  }
0x11: {  	p0 =	seq.s32 s15, $0x1;
	[sflag:s9] =	ssyncset.done $0x0  }
0x12: {  	s15 =	simm.s32 @p0 $0x2;
	[sflag:s9] =	ssyncadd.s32 $0xFFFFFF80  }
0x13: {  	[tilespmem:s11], [sflag:$0x1] =	stream.indirect.gather [hbm4b:s3+s10], $0x80, s2, s10, $0xb8;
	[tilespmem:$0x8100] =	vst v63  }
0x14: {  	_ =	swait.ge @p0 [sflag:s15], $0x4000  }
0x15: {  	[sflag:s15] =	ssyncset.done @p0 $0x0  }
0x16: {  	s16 =	simm.s32 @p0 $0x4;
	[sflag:s15] =	ssyncadd.s32 @p0 $0xFFFFC000;
	s15 =	simm.s32 @p0 $0x0  }
0x17: {  	[tilespmem:s15], [sflag:$0x4] =	stream.linear.gather @p0 [hbm4b:s8+s15], $0x80, $0x38;
	[tilespmem:$0x8100] =	vst v63  }
0x18: {  	_ =	swait.ge @p0 [sflag:s16], $0x80  }
0x19: {  	[sflag:s16] =	ssyncset.done @p0 $0x0  }
0x1a: {  	s17 =	simm.s32 @p0 $0x100;
	[sflag:s16] =	ssyncadd.s32 @p0 $0xFFFFFF80;
	s16 =	simm.s32 @p0 $0x80  }
0x1b: {  	[tilespmem:s17], [sflag:$0x1] =	stream.indirect.gather @p0 [hbm4b:s3+s16], $0x80, s15, s16, $0xb8;
	[tilespmem:$0x8100] =	vst v63  }
0x1c: {  	s16 =	simm.s32 @p0 $0x4100;
	s17 =	simm.s32 @!p0 $0x1  }
0x1d: {  	[hbm4b:s7+s15] =	stream.linear.scatter @p0 [tilespmem:s16], [sflag:$0x3], $0x4000, $0x38;
	[tilespmem:$0x8100] =	vst v63  }
0x1e: {  	_ =	swait.ge @!p0 [sflag:s17], $0x4000  }
0x1f: {  	s18 =	simm.s32 @!p0 $0x4;
	[sflag:s17] =	ssyncset.done @!p0 $0x0  }
0x20: {  	s15 =	simm.s32 @!p0 $0x0;
	s16 =	simm.s32 @!p0 $0x80;
	[sflag:s17] =	ssyncadd.s32 @!p0 $0xFFFFC000  }
0x21: {  	[tilespmem:s16], [sflag:$0x4] =	stream.linear.gather @!p0 [hbm4b:s8+s15], $0x80, $0x38;
	[tilespmem:$0x8100] =	vst v63  }
0x22: {  	_ =	swait.ge @!p0 [sflag:s18], $0x80  }
0x23: {  	[sflag:s18] =	ssyncset.done @!p0 $0x0  }
0x24: {  	s17 =	simm.s32 @!p0 $0x4100;
	[sflag:s18] =	ssyncadd.s32 @!p0 $0xFFFFFF80  }
0x25: {  	[tilespmem:s17], [sflag:$0x2] =	stream.indirect.gather @!p0 [hbm4b:s3+s16], $0x80, s16, s16, $0xb8;
	[tilespmem:$0x8100] =	vst v63  }
0x26: {  	s19 =	simm.s32 $0x1;
	s18 =	simm.s32 @p0 $0x3;
	s16 =	simm.s32 @!p0 $0x100  }
0x27: {  	[hbm4b:s7+s15] =	stream.linear.scatter @!p0 [tilespmem:s16], [sflag:$0x4], $0x4000, $0x38;
	[tilespmem:$0x8100] =	vst v63  }
0x28: {  	s19 =	sand.u32 $0x1, s19;
	s17 =	simm.s32 $0x2;
	_ =	swait.ge [sflag:s18], $0x4000  }
0x29: {  	s16 =	sadd.s32 $0x10, s8;
	s15 =	sadd.s32 $0x800, s7;
	[sflag:s18] =	ssyncset.done $0x0  }
.LBB2_2:
0x2a: {  	p1 =	seq.s32 s19, $0x1  }
0x2b: {  	[sflag:s18] =	ssyncadd.s32 $0xFFFFC000;
	s19 =	smov.u32 s17;
	s17 =	sadd.s32 $0x1, s17  }
0x2c: {  	p0 =	sne.s32 s17, $0x31F;
	s18 =	simm.s32 @p1 $0x2  }
0x2d: {  	_ =	swait.ge @p1 [sflag:s18], $0x4000  }
0x2e: {  	[sflag:s18] =	ssyncset.done @p1 $0x0  }
0x2f: {  	s20 =	simm.s32 @p1 $0x4;
	[sflag:s18] =	ssyncadd.s32 @p1 $0xFFFFC000;
	s18 =	simm.s32 @p1 $0x0  }
0x30: {  	[tilespmem:s18], [sflag:$0x4] =	stream.linear.gather @p1 [hbm4b:s16+s18], $0x80, $0x38;
	[tilespmem:$0x8100] =	vst v63  }
0x31: {  	_ =	swait.ge @p1 [sflag:s20], $0x80  }
0x32: {  	[sflag:s20] =	ssyncset.done @p1 $0x0  }
0x33: {  	s21 =	simm.s32 @p1 $0x100;
	[sflag:s20] =	ssyncadd.s32 @p1 $0xFFFFFF80;
	s20 =	simm.s32 @p1 $0x80  }
0x34: {  	[tilespmem:s21], [sflag:$0x1] =	stream.indirect.gather @p1 [hbm4b:s3+s20], $0x80, s18, s20, $0xb8;
	[tilespmem:$0x8100] =	vst v63  }
0x35: {  	s20 =	simm.s32 @p1 $0x4100;
	s21 =	simm.s32 @!p1 $0x1  }
0x36: {  	[hbm4b:s15+s18] =	stream.linear.scatter @p1 [tilespmem:s20], [sflag:$0x3], $0x4000, $0x38;
	[tilespmem:$0x8100] =	vst v63  }
0x37: {  	_ =	swait.ge @!p1 [sflag:s21], $0x4000  }
0x38: {  	s18 =	simm.s32 @!p1 $0x4;
	[sflag:s21] =	ssyncset.done @!p1 $0x0  }
0x39: {  	s20 =	simm.s32 @!p1 $0x0;
	[sflag:s21] =	ssyncadd.s32 @!p1 $0xFFFFC000;
	s21 =	simm.s32 @!p1 $0x80  }
0x3a: {  	[tilespmem:s21], [sflag:$0x4] =	stream.linear.gather @!p1 [hbm4b:s16+s20], $0x80, $0x38;
	[tilespmem:$0x8100] =	vst v63  }
0x3b: {  	_ =	swait.ge @!p1 [sflag:s18], $0x80  }
0x3c: {  	[sflag:s18] =	ssyncset.done @!p1 $0x0  }
0x3d: {  	s22 =	simm.s32 @!p1 $0x4100;
	[sflag:s18] =	ssyncadd.s32 @!p1 $0xFFFFFF80  }
0x3e: {  	[tilespmem:s22], [sflag:$0x2] =	stream.indirect.gather @!p1 [hbm4b:s3+s21], $0x80, s21, s21, $0xb8;
	[tilespmem:$0x8100] =	vst v63  }
.Ltmp0:
0x3f: {  	_ = 	snop;
	(pc) =	sbr.rel @p0 .LBB2_2-.Ltmp0, $4  }
0x40: {  	s18 =	simm.s32 @p1 $0x3;
	s21 =	simm.s32 @!p1 $0x100  }
0x41: {  	[hbm4b:s15+s20] =	stream.linear.scatter @!p1 [tilespmem:s21], [sflag:$0x4], $0x4000, $0x38;
	[tilespmem:$0x8100] =	vst v63  }
0x42: {  	s16 =	sadd.s32 $0x10, s16;
	_ =	swait.ge [sflag:s18], $0x4000  }
0x43: {  	s19 =	sand.u32 $0x1, s19;
	s15 =	sadd.s32 $0x800, s15;
	[sflag:s18] =	ssyncset.done $0x0  }
0x44: {  	p0 =	seq.s32 s19, $0x1  }
0x45: {  	[sflag:s18] =	ssyncadd.s32 $0xFFFFC000;
	s17 =	simm.s32 @p0 $0x2  }
0x46: {  	_ =	swait.ge @p0 [sflag:s17], $0x4000  }
0x47: {  	[sflag:s17] =	ssyncset.done @p0 $0x0  }
0x48: {  	s18 =	simm.s32 @p0 $0x4;
	[sflag:s17] =	ssyncadd.s32 @p0 $0xFFFFC000;
	s17 =	simm.s32 @p0 $0x0  }
0x49: {  	[tilespmem:s17], [sflag:$0x4] =	stream.linear.gather @p0 [hbm4b:s16+s17], $0x80, $0x38;
	[tilespmem:$0x8100] =	vst v63  }
0x4a: {  	_ =	swait.ge @p0 [sflag:s18], $0x80  }
0x4b: {  	[sflag:s18] =	ssyncset.done @p0 $0x0  }
0x4c: {  	s19 =	simm.s32 @p0 $0x100;
	[sflag:s18] =	ssyncadd.s32 @p0 $0xFFFFFF80;
	s18 =	simm.s32 @p0 $0x80  }
0x4d: {  	[tilespmem:s19], [sflag:$0x1] =	stream.indirect.gather @p0 [hbm4b:s3+s18], $0x80, s17, s18, $0xb8;
	[tilespmem:$0x8100] =	vst v63  }
0x4e: {  	s18 =	simm.s32 @p0 $0x4100;
	s19 =	simm.s32 @!p0 $0x1  }
0x4f: {  	[hbm4b:s15+s17] =	stream.linear.scatter @p0 [tilespmem:s18], [sflag:$0x3], $0x4000, $0x38;
	[tilespmem:$0x8100] =	vst v63  }
0x50: {  	_ =	swait.ge @!p0 [sflag:s19], $0x4000  }
0x51: {  	s17 =	simm.s32 @!p0 $0x4;
	[sflag:s19] =	ssyncset.done @!p0 $0x0  }
0x52: {  	s18 =	simm.s32 @!p0 $0x0;
	[sflag:s19] =	ssyncadd.s32 @!p0 $0xFFFFC000;
	s19 =	simm.s32 @!p0 $0x80  }
0x53: {  	[tilespmem:s19], [sflag:$0x4] =	stream.linear.gather @!p0 [hbm4b:s16+s18], $0x80, $0x38;
	[tilespmem:$0x8100] =	vst v63  }
0x54: {  	_ =	swait.ge @!p0 [sflag:s17], $0x80  }
0x55: {  	[sflag:s17] =	ssyncset.done @!p0 $0x0  }
0x56: {  	s16 =	simm.s32 @!p0 $0x4100;
	[sflag:s17] =	ssyncadd.s32 @!p0 $0xFFFFFF80  }
0x57: {  	[tilespmem:s16], [sflag:$0x2] =	stream.indirect.gather @!p0 [hbm4b:s3+s19], $0x80, s19, s19, $0xb8;
	[tilespmem:$0x8100] =	vst v63  }
0x58: {  	s17 =	simm.s32 @p0 $0x3;
	s16 =	simm.s32 @!p0 $0x100  }
0x59: {  	[hbm4b:s15+s18] =	stream.linear.scatter @!p0 [tilespmem:s16], [sflag:$0x4], $0x4000, $0x38;
	[tilespmem:$0x8100] =	vst v63  }
0x5a: {  	_ =	swait.ge [sflag:s17], $0x4000  }
0x5b: {  	[sflag:s17] =	ssyncset.done $0x0  }
0x5c: {  	[sflag:s17] =	ssyncadd.s32 $0xFFFFC000  }
0x5d: {  	s14 =	sadd.s32 $0x1, s14;
	_ =	swait.ge [sflag:s12], $0x4000  }
0x5e: {  	p0 =	sne.s32 s14, s5;
	[sflag:s12] =	ssyncset.done $0x0  }
.Ltmp1:
0x5f: {  	[sflag:s12] =	ssyncadd.s32 $0xFFFFC000;
	(pc) =	sbr.rel @p0 .LBB2_1-.Ltmp1, $4  }
0x60: {  	[hbm4b:s6+s2] =	stream.linear.scatter [tilespmem:s13], [sflag:$0x3], $0x4000, $0x38;
	[tilespmem:$0x8100] =	vst v63  }
0x61: {  	_ =	swait.ge [sflag:s9], $0x4000  }
0x62: {  	[sflag:s9] =	ssyncset.done $0x0  }
0x63: {  	[sflag:s9] =	ssyncadd.s32 $0xFFFFC000  }
0x64: {  	_ =	sfence.sel $0x180000  }
0x65: {  	[bflag:$0x0] =	sbarrier.arrive $0xFFFF  }
0x66: {  	p0 =	sne.s32 s0, $0x0;
	_ =	strace $0x90000047  }
0x67: {  	s0 =	sadd.s32 @!p0 $0x100000, s1;
	[bflag:$0x2] =	sbarrier.arrive $0xFFFF  }
0x68: {  	[sflag:s0] =	ssyncadd.tile.s32 @!p0 $0x1;
	_ =	shalt  }
.Lfunc_end2:
_tile_overlayer_lowered:
.L_overlay_start_2:
0x69: {  	(tag) =	ssettag $0x2  }
0x6a: {  	s0 =	rddreg [dreg:$0x0];
	s2 =	stileid.u32  }
0x6b: {  	s1 =	rddreg [dreg:$0x1];
	p0 =	sne.s32 s2, $0x0  }
0x6c: {  	s3 =	rddreg [dreg:$0x2];
	[bflag:$0x3] =	sbarrier.arrive $0xFFFF;
	s2 =	simm.s32 @!p0 $0x1C03  }
0x6d: {  	[timem:s3], [sflag:s2] =	dma.local @!p0 [hbm:s0], s1  }
0x6e: {  	s0 =	simm.s32 @!p0 $0x3  }
0x6f: {  	_ =	swait.ge @!p0 [sflag:s0], s1  }
0x70: {  	s1 =	ssub.s32 @!p0 $0x0, s1;
	[sflag:s0] =	ssyncset.done @!p0 $0x0  }
0x71: {  	[sflag:s0] =	ssyncadd.s32 @!p0 s1  }
0x72: {  	[bflag:$0x3] =	sbarrier.arrive $0xFFFF  }
0x73: {  	_ =	shalt  }

// kernel: sparse-core-data-format-call.cloned.1.call-start
scs
called_computation_lowered:
.L_overlay_start_0:
0x0: {  	s2 =	sld [smem:$0x3FD9]  }
0x1: {  	s3 =	sld [smem:$0x3FFE];
	_ =	sdelay $0x1  }
0x2: {  	s1 =	srdreg.scid  }
0x3: {  	s0 =	sand.u32 $0x1, s1  }
0x4: {  	s18 =	sshll.u32 s0, $0xA;
	s2 =	sadd.s32 s3, s2  }
0x5: {  	s2 =	sadd.s32 s2, s18  }
0x6: {  	[smem:$0x3FC6] =	sst s2  }
0x7: {  	_ = 	snop  }
0x8: {  	s2 =	sld [smem:$0x3FD0];
	(tm) =	ssettm $0x1  }
0x9: {  	s19 =	sld [smem:$0x3FFB];
	_ =	sdelay $0x3  }
0xa: {  	_ =	strace s19  }
0xb: {  	s3 =	sld [smem:$0x3FFC];
	_ =	sdelay $0x3  }
0xc: {  	_ =	strace s3  }
0xd: {  	s3 =	sld [smem:$0x3FFD];
	_ =	sdelay $0x3  }
0xe: {  	_ =	strace s3  }
0xf: {  	_ =	strace $0x8FFFFFFF  }
0x10: {  	s20 =	sld [smem:$0x3FDB];
	_ =	sdelay $0x1  }
0x11: {  	s4 =	simm.s32 $_scs_section_size  }
0x12: {  	s5 =	simm.s32 $_size__tile_overlayer_lowered;
	s6 =	simm.s32 $_tile_overlayer_lowered  }
0x13: {  	s23 =	simm.s32 $0x1BFF;
	s22 =	sshll.u32 s6, $0x1;
	s3 =	sadd.s32 s4, s20  }
0x14: {  	s7 =	simm.s32 $0x0;
	s21 =	sshll.u32 s5, $0x1;
	s5 =	sadd.s32 s22, s3  }
0x15: {  	[timem:s7], [sflag:s23] =	dma.local [hbm:s5], s21  }
0x16: {  	_ =	swait.ge [sflag:s23], s21  }
0x17: {  	s4 =	ssub.s32 $0x0, s21;
	[sflag:s23] =	ssyncset.done $0x0  }
0x18: {  	[sflag:s23] =	ssyncadd.s32 s4;
	_ =	sdelay $0x1  }
0x19: {  	s24 =	simm.s32 $0x1B8B  }
0x1a: {  	_ =	swait.ge [sflag:s24], $0x1  }
0x1b: {  	[sflag:s24] =	ssyncset.done $0x0  }
0x1c: {  	s26 =	simm.s32 $0x1B8E;
	s25 =	sld [smem:$0x3FFE];
	[sflag:s24] =	ssyncadd.s32 $0xFFFFFFFF  }
0x1d: {  	s27 =	simm.s32 $execute0_lowered;
	[smem:$0x3FD2] =	sst s26  }
0x1e: {  	s5 =	sshll.u32 s27, $0x1;
	_ =	strace $0x80000049;
	[dreg:$0x1] =	wrdreg $0xFFFFFFFF  }
0x1f: {  	s28 =	simm.s32 $_size_execute0_lowered;
	s3 =	sadd.s32 s3, s5;
	[dreg:$0x0] =	wrdreg $0x0  }
0x20: {  	s5 =	sshll.u32 s28, $0x1;
	[dreg:$0x2] =	wrdreg s3  }
0x21: {  	[dreg:$0x3] =	wrdreg s5  }
0x22: {  	[dreg:$0x4] =	wrdreg $0xC0  }
0x23: {  	_ =	task [dreg:s7], $0x5FFFF  }
0x24: {  	[dreg:$0x1] =	wrdreg $0xFFFFFFFF  }
0x25: {  	[dreg:$0x0] =	wrdreg $0x60  }
0x26: {  	[dreg:$0x2] =	wrdreg s25  }
0x27: {  	[dreg:$0x3] =	wrdreg s2  }
0x28: {  	[dreg:$0x4] =	wrdreg $0x9  }
0x29: {  	_ =	task.clear_ibuf [dreg:s7], $0x5FFFF;
	_ =	strace $0x90000049  }
0x2a: {  	s29 =	simm.s32 $0x9;
	_ =	strace $0x8000004B  }
0x2b: {  	_ =	swait.ge [sflag:s29], $0x1  }
0x2c: {  	[sflag:s29] =	ssyncadd.s32 $0xFFFFFFFF  }
0x2d: {  	_ =	strace $0x9000004B  }
0x2e: {  	_ =	sfence  }
0x2f: {  	s30 =	sld [smem:$0x0];
	_ =	sdelay $0x2  }
0x30: {  	s31 =	sshll.u32 s1, $0xD;
	s1 =	sshrl.u32 s1, $0x2  }
0x31: {  	s3 =	sand.u32 $0x4000, s31;
	s1 =	sadd.s32 s1, s30  }
0x32: {  	s0 =	sor.u32 s3, s0;
	s1 =	sshll.u32 s1, $0x11  }
0x33: {  	s0 =	sor.u32 s1, s0  }
0x34: {  	s0 =	sadd.s32 $0x8F2B, s0  }
0x35: {  	[sflag:s0] =	ssyncadd.remote.s32 $0x1  }
0x36: {  	_ =	sfence.sel $0xFFFF  }
0x37: {  	[dreg:$0x0] =	wrdreg $0xFFFFFFFF;
	(pc) =	sbr.abs _section_cstart, $3  }
0x38: {  	[dreg:$0x1] =	wrdreg $0xFFFFFFFF  }
0x39: {  	_ =	task.clear_ibuf [dreg:s7], $0x2FFFF;
	_ =	strace $0x9FFFFFFF  }
0x3a: {  	(tm) =	ssettm $0x7FFFFFFF  }
0x3b: {  	_ =	shalt  }
tec
execute0_lowered:
.L_overlay_start_1:
0x0: {  	(tag) =	ssettag $0x1  }
0x1: {  	s0 =	srdreg.scid  }
0x2: {  	s1 =	sshll.u32 s0, $0x4  }
0x3: {  	s6 =	rddreg [dreg:$0x0];
	s0 =	stileid.u32;
	s1 =	sand.u32 $0x10, s1  }
0x4: {  	s3 =	rddreg [dreg:$0x1];
	s1 =	sor.u32 s0, s1  }
0x5: {  	s5 =	simm.s32 $0x1;
	s31 =	simm.s32 $0x2;
	s2 =	sshll.u32 s1, $0x7  }
0x6: {  	s15 =	simm.s32 $0x0;
	s8 =	simm.s32 $0x320000;
	s4 =	ssub.s32 $0x4000, s2  }
0x7: {  	s14 =	simm.s32 $0x0;
	s9 =	simm.s32 $0x0;
	s30 =	sand.u32 $0xF80, s4  }
0x8: {  	s10 =	simm.s32 $0x0;
	s11 =	simm.s32 $0x0;
	p0 =	sne.s32 s30, $0x0  }
.Ltmp0:
0x9: {  	s7 =	sshrl.u32 s4, $0xC;
	s5 =	simm.s32 @!p0 $0x0;
	(pc) =	sbr.rel .LBB1_1-.Ltmp0, $4  }
0xa: {  	s13 =	simm.s32 $0x0;
	s1 =	rddreg [dreg:$0x2];
	s5 =	sadd.s32 s5, s7  }
0xb: {  	_ =	strace $0x8000004A;
	s4 =	simm.s32 $0x1;
	s5 =	smul.u32 $0xC8, s5  }
0xc: {  	s6 =	sadd.s32 $0x800, s6;
	s12 =	smov.u32 s2;
	[sflag:s4] =	ssyncpa.u1 $0x0  }
0xd: {  	[sflag:s31] =	ssyncpa.u1 $0x0;
	p0 =	por $0x0, $0x0;
	s7 =	sor.u32 $0x1, s5  }
.LBB1_4:
0xe: {  	s20 =	sshra.s32 s20, $0x2;
	s27 =	sshll.u32 s9, $0xE  }
0xf: {  	s21 =	sand.u32 $0x78, s10;
	s22 =	sshll.u32 s10, $0x3;
	s24 =	sshll.u32 s9, $0x7  }
0x10: {  	p1 =	sgt.s32 s9, $0xC7;
	s30 =	sshra.s32 s9, $0x1F;
	s25 =	sshra.s32 s10, $0x1F  }
0x11: {  	s19 =	sadd.s32 s20, s19;
	s20 =	sand.u32 $0xFFFE0000, s27;
	s23 =	sand.u32 $0xFFFFFC00, s22  }
0x12: {  	v5 =	vld [tilespmem:s17+$0xFFFFFFD0];
	[tilespmem:s18+$0x2040 ss:$0x81] =	vst.msk $0xffff, v4;
	s22 =	sand.u32 $0x3C00, s22;
	s28 =	sand.u32 $0x380, s24;
	s31 =	sand.u32 s30, s9  }
0x13: {  	v58 =	vld [tilespmem:s17+$0xFFFFFFE0];
	[tilespmem:s18+$0x2850 ss:$0x81] =	vst.msk $0xffff, v3;
	s24 =	smov.u32 s10;
	s25 =	sand.u32 s25, s10;
	s20 =	sadd.s32 s23, s20  }
0x14: {  	v59 =	vld [tilespmem:s17+$0xFFFFFFF0];
	[tilespmem:s18+$0x3060 ss:$0x81] =	vst.msk $0xffff, v2;
	s21 =	sor.u32 s21, s22;
	s22 =	smov.u32 s9;
	s20 =	sshrl.u32 s20, $0xE  }
0x15: {  	v60 =	vld [tilespmem:s17+$0x0];
	[tilespmem:s18+$0x0 ss:$0x81] =	vst.msk $0xffff, v1;
	s22 =	simm.s32 @!p1 $0xC7;
	p1 =	sgt.s32 s10, $0x3F80;
	s29 =	smulhi.u32 $0x147AE15, s20  }
0x16: {  	v61 =	vld [tilespmem:s17+$0x10];
	[tilespmem:s19+$0x3870 ss:$0x81] =	vst.msk $0xffff, v0;
	s21 =	sor.u32 s28, s21;
	s18 =	ssub.s32 s22, s31;
	s24 =	simm.s32 @!p1 $0x3F80  }
0x17: {  	v62 =	vld [tilespmem:s17+$0x20];
	[tilespmem:s19+$0x810 ss:$0x81] =	vst.msk $0xffff, v5;
	s22 =	ssub.s32 s24, s25;
	s26 =	ssub.s32 $0xC8, s18;
	s23 =	smul.u32 $0xC8, s29  }
0x18: {  	v63 =	vld [tilespmem:s17+$0xFFFFFFC0];
	[tilespmem:s19+$0x1020 ss:$0x81] =	vst.msk $0xffff, v58;
	s27 =	sadd.s32 $0xFFFFFF39, s18;
	s18 =	smul.u32 $0x64, s26;
	s28 =	sadd.s32 $0xFFFFC080, s22  }
0x19: {  	[tilespmem:s19+$0x1830 ss:$0x81] =	vst.msk $0xffff, v59;
	p1 =	sgt.s32 s27, $0x0;
	s17 =	ssub.s32 $0x4000, s22;
	p2 =	sgt.s32 s28, $0x7F  }
0x1a: {  	s30 =	sand.u32 $0x7, s10;
	[tilespmem:s19+$0x2040 ss:$0x81] =	vst.msk $0xffff, v60;
	s18 =	simm.s32 @p1 $0x0;
	s17 =	simm.s32 @p2 $0x0  }
0x1b: {  	[tilespmem:s19+$0x2850 ss:$0x81] =	vst.msk $0xffff, v61;
	s29 =	sshrl.u32 s21, $0x3;
	s20 =	ssub.s32 s20, s23;
	s17 =	smul.u32 s17, s18  }
0x1c: {  	[tilespmem:s19+$0x3060 ss:$0x81] =	vst.msk $0xffff, v62;
	s21 =	sshll.u32 s30, $0x12;
	s20 =	sshll.u32 s20, $0xB;
	s18 =	sadd.s32 s3, s29  }
0x1d: {  	[tilespmem:s19+$0x0 ss:$0x81] =	vst.msk $0xffff, v63;
	s31 =	sor.u32 $0x80, s21;
	s18 =	sadd.s32 s20, s18;
	s17 =	sand.u32 $0x3FFFFFFC, s17  }
0x1e: {  	[hbm4b:s18+s31] =	stream.strided.scatter [tilespmem:s16], [sflag:$0x2], s17, s8, s31, $0x20;
	[tilespmem:$0x10100] =	vst v63  }
.LBB1_5:
0x1f: {  	p1 =	slt.u32 s13, $0x2  }
0x20: {  	s17 =	smov.u32 s15;
	p2 =	sgt.s32 @!p1 s15, $0xC7;
	s16 =	sshra.s32 @!p1 s15, $0x1F  }
0x21: {  	p3 =	sgt.s32 @!p1 s14, $0x3F80;
	s18 =	sshra.s32 @!p1 s14, $0x1F;
	p2 =	por !p2, p1  }
0x22: {  	s15 =	sand.u32 @!p1 s16, s15;
	p3 =	por !p3, p1;
	s16 =	smov.u32 s14  }
0x23: {  	s14 =	sand.u32 @!p1 s18, s14;
	s17 =	simm.s32 @p2 $0xC7;
	s16 =	simm.s32 @p3 $0x3F80  }
0x24: {  	s18 =	smov.u32 s12;
	s15 =	ssub.s32 @!p1 s17, s15;
	s14 =	ssub.s32 @!p1 s16, s14  }
0x25: {  	s16 =	sadd.s32 @!p1 $0xFFFFFF39, s15;
	s15 =	ssub.s32 @!p1 $0xC8, s15;
	s17 =	sadd.s32 @!p1 $0xFFFFC080, s14  }
0x26: {  	p2 =	sgt.s32 @!p1 s16, $0x0;
	s15 =	smul.u32 @!p1 $0x64, s15;
	p3 =	sgt.s32 @!p1 s17, $0x7F  }
0x27: {  	s14 =	ssub.s32 @!p1 $0x4000, s14;
	p2 =	por !p2, p1;
	p3 =	por !p3, p1  }
0x28: {  	s16 =	sadd.s32 $0x1, s11;
	s15 =	simm.s32 @!p2 $0x0;
	s14 =	simm.s32 @!p3 $0x0  }
0x29: {  	p2 =	sgt.s32 s16, $0xC7;
	s14 =	smul.u32 @!p1 s14, s15;
	s15 =	sadd.s32 $0x1000, s12  }
0x2a: {  	s18 =	smov.u32 @p2 s15  }
0x2b: {  	s16 =	simm.s32 @p2 $0x0;
	p2 =	sgt.s32 s18, $0x3FFF  }
0x2c: {  	s18 =	smov.u32 @p2 s2;
	p2 =	sne.s32 s13, s7  }
.Ltmp1:
0x2d: {  	p0 =	por !p0, !p0;
	s17 =	simm.s32 @!p1 $0x2;
	(pc) =	sbr.rel @!p2 .LBB1_6-.Ltmp1, $4  }
0x2e: {  	s15 =	smov.u32 s9;
	s9 =	smov.u32 s11;
	s14 =	sand.u32 @!p1 $0x3FFFFFFC, s14  }
0x2f: {  	s11 =	smov.u32 s16;
	_ =	swait.ge @!p1 [sflag:s17], s14;
	s19 =	ssub.s32 @!p1 $0x0, s14  }
0x30: {  	s14 =	smov.u32 s10;
	s13 =	sadd.s32 $0x1, s13;
	[sflag:s17] =	ssyncset.done @!p1 $0x0  }
0x31: {  	s10 =	smov.u32 s12;
	s12 =	smov.u32 s18;
	[sflag:s17] =	ssyncadd.s32 @!p1 s19  }
.LBB1_1:
0x32: {  	p1 =	sge.u32 s13, s5  }
0x33: {  	s16 =	sand.u32 @!p1 $0x1FFFFFF, s11  }
0x34: {  	s17 =	smulhi.u32 @!p1 $0x147AE15, s16;
	_ =	sdelay $0x1  }
0x35: {  	s17 =	smul.u32 @!p1 $0xC8, s17  }
0x36: {  	s18 =	sxor.u32 @!p1 $0xFFFFFFFF, s13;
	s19 =	smul.u32 @!p1 $0xC80, s12  }
0x37: {  	s31 =	sadd.s32 $0xFFFFFFFF, s13;
	s18 =	sshll.u32 @!p1 s18, $0xE;
	s16 =	ssub.s32 @!p1 s16, s17  }
0x38: {  	s17 =	sand.u32 @!p1 $0x4000, s18;
	s18 =	sadd.s32 @!p1 s6, s19;
	s16 =	sshll.u32 @!p1 s16, $0x4  }
0x39: {  	s19 =	simm.s32 @!p1 $0x6400;
	s16 =	sadd.s32 @!p1 s16, s18;
	s18 =	simm.s32 @!p1 $0x80  }
0x3a: {  	[tilespmem:s17], [sflag:$0x1] =	stream.strided.gather @!p1 [hbm4b:s16+s18], $0x4000, s19, s18, $0x38;
	[tilespmem:$0x10100] =	vst v63  }
0x3b: {  	p1 =	sge.u32 s31, s5  }
.Ltmp2:
0x3c: {  	_ = 	snop;
	(pc) =	sbr.rel @p1 .LBB1_5-.Ltmp2, $1  }
0x3d: {  	_ =	sdelay $0x3  }
0x3e: {  	s16 =	simm.s32 $0x1  }
0x3f: {  	_ =	swait.ge [sflag:s4], $0x4000;
	s16 =	simm.s32 @!p0 $0x0  }
0x40: {  	[sflag:s4] =	ssyncset.done $0x0;
	s17 =	sshll.u32 s16, $0xE  }
0x41: {  	[sflag:s4] =	ssyncadd.s32 $0xFFFFC000;
	s17 =	sor.u32 $0x40, s17  }
0x42: {  	s16 =	smul.u32 $0x10200, s16;
	v0 =	vld [tilespmem:s17+$0x30]  }
0x43: {  	v1 =	vld [tilespmem:s17+$0xFFFFFFD0]  }
0x44: {  	s16 =	sshrl.u32 s16, $0x2;
	v5 =	vld [tilespmem:s17+$0xFFFFFFE0]  }
0x45: {  	v6 =	vld [tilespmem:s17+$0xFFFFFFF0];
	s19 =	sor.u32 $0x8000, s16  }
0x46: {  	s31 =	sand.u32 $0x1, s13;
	v4 =	vld [tilespmem:s17+$0x0];
	s18 =	sadd.s32 $0x0, s19  }
0x47: {  	v3 =	vld [tilespmem:s17+$0x10];
	s16 =	smul.u32 $0x10200, s31;
	[tilespmem:s18+$0x3870 ss:$0x81] =	vst.msk $0xffff, v0  }
0x48: {  	v2 =	vld [tilespmem:s17+$0x20];
	[tilespmem:s18+$0x810 ss:$0x81] =	vst.msk $0xffff, v1  }
0x49: {  	s16 =	sshrl.u32 s16, $0x2;
	v1 =	vld [tilespmem:s17+$0xFFFFFFC0];
	[tilespmem:s18+$0x1020 ss:$0x81] =	vst.msk $0xffff, v5;
	s17 =	sadd.s32 $0x80, s17  }
0x4a: {  	s20 =	simm.s32 $0x4;
	s21 =	simm.s32 $0x8;
	s16 =	sor.u32 $0x8000, s16;
	[tilespmem:s18+$0x1830 ss:$0x81] =	vst.msk $0xffff, v6;
	v0 =	vld [tilespmem:s17+$0x30]  }
.LBB1_3:
0x4b: {  	p1 =	sne.s32 s21, $0x1FC;
	v5 =	vld [tilespmem:s17+$0xFFFFFFD0];
	[tilespmem:s18+$0x2040 ss:$0x81] =	vst.msk $0xffff, v4  }
0x4c: {  	v6 =	vld [tilespmem:s17+$0xFFFFFFE0];
	[tilespmem:s18+$0x2850 ss:$0x81] =	vst.msk $0xffff, v3  }
0x4d: {  	s22 =	sshra.s32 s20, $0x2;
	s20 =	smov.u32 s21;
	v7 =	vld [tilespmem:s17+$0xFFFFFFF0];
	[tilespmem:s18+$0x3060 ss:$0x81] =	vst.msk $0xffff, v2  }
.Ltmp3:
0x4e: {  	v4 =	vld [tilespmem:s17+$0x0];
	[tilespmem:s18+$0x0 ss:$0x81] =	vst.msk $0xffff, v1;
	s18 =	sadd.s32 s22, s19;
	(pc) =	sbr.rel @p1 .LBB1_3-.Ltmp3, $4  }
0x4f: {  	v3 =	vld [tilespmem:s17+$0x10];
	[tilespmem:s18+$0x3870 ss:$0x81] =	vst.msk $0xffff, v0  }
0x50: {  	[tilespmem:s18+$0x810 ss:$0x81] =	vst.msk $0xffff, v5;
	v2 =	vld [tilespmem:s17+$0x20]  }
0x51: {  	v1 =	vld [tilespmem:s17+$0xFFFFFFC0];
	[tilespmem:s18+$0x1020 ss:$0x81] =	vst.msk $0xffff, v6;
	s17 =	sadd.s32 $0x80, s17  }
0x52: {  	s21 =	sadd.s32 $0x4, s21;
	v0 =	vld [tilespmem:s17+$0x30];
	[tilespmem:s18+$0x1830 ss:$0x81] =	vst.msk $0xffff, v7  }
.Ltmp4:
0x53: {  	_ = 	snop;
	(pc) =	sbr.rel .LBB1_4-.Ltmp4, $1  }
0x54: {  	_ =	sdelay $0x3  }
.LBB1_6:
0x55: {  	_ =	sfence.sel $0x180000  }
0x56: {  	s2 =	simm.s32 $0x1;
	[bflag:$0x0] =	sbarrier.arrive $0xFFFF  }
0x57: {  	s31 =	simm.s32 $0x2;
	[sflag:s2] =	ssyncpa.u1 $0x1  }
0x58: {  	[sflag:s31] =	ssyncpa.u1 $0x1  }
0x59: {  	p0 =	sne.s32 s0, $0x0;
	_ =	strace $0x9000004A  }
0x5a: {  	s0 =	sadd.s32 @!p0 $0x100000, s1;
	[bflag:$0x2] =	sbarrier.arrive $0xFFFF  }
0x5b: {  	[sflag:s0] =	ssyncadd.tile.s32 @!p0 $0x1;
	_ =	shalt  }
.Lfunc_end1:
_tile_overlayer_lowered:
.L_overlay_start_2:
0x5c: {  	(tag) =	ssettag $0x2  }
0x5d: {  	s0 =	rddreg [dreg:$0x0];
	s2 =	stileid.u32  }
0x5e: {  	s1 =	rddreg [dreg:$0x1];
	p0 =	sne.s32 s2, $0x0  }
0x5f: {  	s3 =	rddreg [dreg:$0x2];
	[bflag:$0x3] =	sbarrier.arrive $0xFFFF;
	s2 =	simm.s32 @!p0 $0x1C01  }
0x60: {  	[timem:s3], [sflag:s2] =	dma.local @!p0 [hbm:s0], s1  }
0x61: {  	s0 =	simm.s32 @!p0 $0x1  }
0x62: {  	_ =	swait.ge @!p0 [sflag:s0], s1  }
0x63: {  	s1 =	ssub.s32 @!p0 $0x0, s1;
	[sflag:s0] =	ssyncset.done @!p0 $0x0  }
0x64: {  	[sflag:s0] =	ssyncadd.s32 @!p0 s1  }
0x65: {  	[bflag:$0x3] =	sbarrier.arrive $0xFFFF  }
0x66: {  	_ =	shalt  }

</sc_bundles>
